<compile_context>
chip_gen: v7x
topology: tpu7x:2x2x1
jax: 0.10.2.dev20260603
libtpu: 0.0.44.dev20260713+nightly
codegen_flags: <defaults>
</compile_context>

<pallas_src>
import functools

import jax
import jax.numpy as jnp
from jax import lax
from jax.experimental import pallas as pl
from jax.experimental.pallas import tpu as pltpu
from jax.experimental.pallas import tpu_sc as plsc


def _build(B, S, D):
  info = plsc.get_sparse_core_info()
  NC, NS, L = info.num_cores, info.num_subcores, info.num_lanes
  NW = NC * NS
  assert B % (8 * NW) == 0, "batch must split 8-aligned across subcores"
  bpw = B // NW

  mesh = plsc.VectorSubcoreMesh(core_axis_name="c", subcore_axis_name="s")

  @functools.partial(
      pl.kernel,
      mesh=mesh,
      out_type=jax.ShapeDtypeStruct((B, 2 * D), jnp.float32),
      scratch_types=[
          pltpu.VMEM((bpw,), jnp.int32),
          pltpu.VMEM((bpw,), jnp.int32),
          pltpu.VMEM((bpw, D), jnp.float32),
          pltpu.VMEM((bpw, D), jnp.float32),
          pltpu.SemaphoreType.DMA,
          pltpu.SemaphoreType.DMA,
          pltpu.SemaphoreType.DMA,
      ],
  )
  def k(begin_hbm, end_hbm, fwd_hbm, bwd_hbm, out_hbm,
        bidx, eidx, brows, erows, isem, gsem, wsem):
    wid = lax.axis_index("c") * NS + lax.axis_index("s")
    base = wid * bpw
    ci = pltpu.async_copy(begin_hbm.at[pl.ds(base, bpw)], bidx, isem)
    cj = pltpu.async_copy(end_hbm.at[pl.ds(base, bpw)], eidx, isem)
    ci.wait()
    cj.wait()
    lane = lax.iota(jnp.int32, L)
    for j in range(bpw // L):
      sl = pl.ds(j * L, L)
      off = (base + j * L + lane) * S
      bidx[sl] = bidx[sl] + off
      eidx[sl] = eidx[sl] + off
    cb = pltpu.async_copy(bwd_hbm.at[bidx], brows, gsem)
    ce = pltpu.async_copy(fwd_hbm.at[eidx], erows, isem)
    cb.wait()
    wb = pltpu.async_copy(brows, out_hbm.at[pl.ds(base, bpw), pl.ds(0, D)], wsem)
    ce.wait()
    we = pltpu.async_copy(erows, out_hbm.at[pl.ds(base, bpw), pl.ds(D, D)], wsem)
    wb.wait()
    we.wait()

  return k


def kernel(begin, end, forward, backward):
  B, S, D = forward.shape
  begin_f = begin.reshape(B).astype(jnp.int32)
  end_f = end.reshape(B).astype(jnp.int32)
  fwd = forward.reshape(B * S, D)
  bwd = backward.reshape(B * S, D)
  return _build(B, S, D)(begin_f, end_f, fwd, bwd)

# --- scband reference (transcript-rebuilt; emitter-appended) ---
"""Pipeline reference for scband-state-mix-one-49649821942359 (READ-ONLY COPY).

The authoritative reference and input builder live on the scoring server;
editing this copy changes nothing except your own understanding.
"""

import jax, jax.numpy as jnp
import numpy as np

B, S, D = 4096, 200, 128

def setup_inputs(seed: int = 0) -> dict:
    key = jax.random.key(seed)
    k1, k2, k3, k4 = jax.random.split(key, 4)
    begin = jax.random.randint(k1, (B, 1), 0, S)
    end = jax.random.randint(k2, (B, 1), 0, S)
    forward = jax.random.normal(k3, (B, S, D), dtype=jnp.float32)
    backward = jax.random.normal(k4, (B, S, D), dtype=jnp.float32)
    return {"begin": begin, "end": end, "forward": forward, "backward": backward}

def reference(begin, end, forward, backward):
    # StateMixOne.call with merge_mode='concat':
    # begin_state = tf.batch_gather(backward, begin)  -> [B, 1, D]
    # end_state   = tf.batch_gather(forward, end)     -> [B, 1, D]
    begin = begin.astype(jnp.int32)
    end = end.astype(jnp.int32)
    begin_state = jnp.take_along_axis(backward, begin[:, :, None], axis=1)
    end_state = jnp.take_along_axis(forward, end[:, :, None], axis=1)
    out = jnp.concatenate([begin_state, end_state], axis=-1)  # [B, 1, 2D]
    out = jnp.squeeze(out, axis=1)  # [B, 2D]
    return out

if __name__ == "__main__":
    import jax
    _d = setup_inputs()
    print(jax.jit(kernel)(*tuple(_d.values())))

</pallas_src>

<mosaic_0001>
#map = affine_map<(d0, d1) -> (0)>
#map1 = affine_map<(d0, d1) -> (0, 0)>
module attributes {stable_mosaic.version = 14 : i64} {
  func.func @k(%arg0: i32, %arg1: i32, %arg2: memref<4096xi32, #tpu.memory_space<hbm>>, %arg3: memref<4096xi32, #tpu.memory_space<hbm>>, %arg4: memref<819200x128xf32, #tpu.memory_space<hbm>>, %arg5: memref<819200x128xf32, #tpu.memory_space<hbm>>, %arg6: memref<4096x256xf32, #tpu.memory_space<hbm>>, %arg7: memref<128xi32, #tpu.memory_space<vmem>>, %arg8: memref<128xi32, #tpu.memory_space<vmem>>, %arg9: memref<128x128xf32, #tpu.memory_space<vmem>>, %arg10: memref<128x128xf32, #tpu.memory_space<vmem>>, %arg11: memref<!tpu.dma_semaphore, #tpu.memory_space<semaphore_mem>>, %arg12: memref<!tpu.dma_semaphore, #tpu.memory_space<semaphore_mem>>, %arg13: memref<!tpu.dma_semaphore, #tpu.memory_space<semaphore_mem>>) attributes {dimension_semantics = [#tpu.dimension_semantics<core_parallel>, #tpu.dimension_semantics<subcore_parallel>], iteration_bounds = array<i64: 2, 16>, scalar_prefetch = 0 : i64, scratch_operands = 7 : i64, tpu.core_type = #tpu.core_type<sc_vector_subcore>, window_params = [{transform_indices = #map}, {transform_indices = #map}, {transform_indices = #map1}, {transform_indices = #map1}, {transform_indices = #map1}]} {
    %mul3A = arith.constant 16 : i32
    %mul3A_0 = arith.muli %arg0, %mul3A : i32
    %add3A = arith.addi %mul3A_0, %arg1 : i32
    %mul3A_1 = arith.constant 128 : i32
    %mul3A_2 = arith.muli %add3A, %mul3A_1 : i32
    %dma_start3A = tpu.memref_slice %arg2[%mul3A_2] : memref<4096xi32, #tpu.memory_space<hbm>> -> memref<128xi32, #tpu.memory_space<hbm>>
    %dma_start3A_3 = tpu.memref_slice %arg2[%mul3A_2] : memref<4096xi32, #tpu.memory_space<hbm>> -> memref<128xi32, #tpu.memory_space<hbm>>
    tpu.enqueue_dma source(%dma_start3A_3 : memref<128xi32, #tpu.memory_space<hbm>>) target(%arg7 : memref<128xi32, #tpu.memory_space<vmem>>) target_semaphore(%arg11 : memref<!tpu.dma_semaphore, #tpu.memory_space<semaphore_mem>>)
    %dma_start3A_4 = tpu.memref_slice %arg3[%mul3A_2] : memref<4096xi32, #tpu.memory_space<hbm>> -> memref<128xi32, #tpu.memory_space<hbm>>
    %dma_start3A_5 = tpu.memref_slice %arg3[%mul3A_2] : memref<4096xi32, #tpu.memory_space<hbm>> -> memref<128xi32, #tpu.memory_space<hbm>>
    tpu.enqueue_dma source(%dma_start3A_5 : memref<128xi32, #tpu.memory_space<hbm>>) target(%arg8 : memref<128xi32, #tpu.memory_space<vmem>>) target_semaphore(%arg11 : memref<!tpu.dma_semaphore, #tpu.memory_space<semaphore_mem>>)
    %dma_wait3A = tpu.memref_slice %arg2[%mul3A_2] : memref<4096xi32, #tpu.memory_space<hbm>> -> memref<128xi32, #tpu.memory_space<hbm>>
    %dma_wait3A_6 = tpu.memref_slice %arg2[%mul3A_2] : memref<4096xi32, #tpu.memory_space<hbm>> -> memref<128xi32, #tpu.memory_space<hbm>>
    tpu.wait_dma2 semaphore(%arg11 : memref<!tpu.dma_semaphore, #tpu.memory_space<semaphore_mem>>) src(%dma_wait3A_6 : memref<128xi32, #tpu.memory_space<hbm>>) dst(%arg7 : memref<128xi32, #tpu.memory_space<vmem>>)
    %dma_wait3A_7 = tpu.memref_slice %arg3[%mul3A_2] : memref<4096xi32, #tpu.memory_space<hbm>> -> memref<128xi32, #tpu.memory_space<hbm>>
    %dma_wait3A_8 = tpu.memref_slice %arg3[%mul3A_2] : memref<4096xi32, #tpu.memory_space<hbm>> -> memref<128xi32, #tpu.memory_space<hbm>>
    tpu.wait_dma2 semaphore(%arg11 : memref<!tpu.dma_semaphore, #tpu.memory_space<semaphore_mem>>) src(%dma_wait3A_8 : memref<128xi32, #tpu.memory_space<hbm>>) dst(%arg8 : memref<128xi32, #tpu.memory_space<vmem>>)
    %iota3A = tpu.iota {dimensions = array<i32: 0>} : vector<16xi32>
    %add3A_9 = arith.constant 0 : i32
    %add3A_10 = arith.addi %mul3A_2, %add3A_9 : i32
    %add3A_11 = vector.broadcast %add3A_10 : i32 to vector<16xi32>
    %add3A_12 = arith.addi %add3A_11, %iota3A : vector<16xi32>
    %mul3A_13 = arith.constant 200 : i32
    %mul3A_14 = vector.broadcast %mul3A_13 : i32 to vector<16xi32>
    %mul3A_15 = arith.muli %add3A_12, %mul3A_14 : vector<16xi32>
    %get3A = arith.constant 0 : index
    %get3A_16 = tpu.vector_load %arg7[%get3A] {strides = array<i32>} : memref<128xi32, #tpu.memory_space<vmem>>, vector<16xi32>,
    %get3A_17 = vector.shape_cast %get3A_16 : vector<16xi32> to vector<16xi32>
    %add3A_18 = arith.addi %get3A_17, %mul3A_15 : vector<16xi32>
    %swap3A = arith.constant 0 : index
    %swap3A_19 = tpu.vector_load %arg7[%swap3A] {strides = array<i32>} : memref<128xi32, #tpu.memory_space<vmem>>, vector<16xi32>,
    %swap3A_20 = vector.shape_cast %swap3A_19 : vector<16xi32> to vector<16xi32>
    %swap3A_21 = vector.shape_cast %add3A_18 : vector<16xi32> to vector<16xi32>
    tpu.vector_store %arg7[%swap3A], %swap3A_21 {strides = array<i32>} : memref<128xi32, #tpu.memory_space<vmem>>, vector<16xi32>,
    %get3A_22 = arith.constant 0 : index
    %get3A_23 = tpu.vector_load %arg8[%get3A_22] {strides = array<i32>} : memref<128xi32, #tpu.memory_space<vmem>>, vector<16xi32>,
    %get3A_24 = vector.shape_cast %get3A_23 : vector<16xi32> to vector<16xi32>
    %add3A_25 = arith.addi %get3A_24, %mul3A_15 : vector<16xi32>
    %swap3A_26 = arith.constant 0 : index
    %swap3A_27 = tpu.vector_load %arg8[%swap3A_26] {strides = array<i32>} : memref<128xi32, #tpu.memory_space<vmem>>, vector<16xi32>,
    %swap3A_28 = vector.shape_cast %swap3A_27 : vector<16xi32> to vector<16xi32>
    %swap3A_29 = vector.shape_cast %add3A_25 : vector<16xi32> to vector<16xi32>
    tpu.vector_store %arg8[%swap3A_26], %swap3A_29 {strides = array<i32>} : memref<128xi32, #tpu.memory_space<vmem>>, vector<16xi32>,
    %add3A_30 = arith.constant 16 : i32
    %add3A_31 = arith.addi %mul3A_2, %add3A_30 : i32
    %add3A_32 = vector.broadcast %add3A_31 : i32 to vector<16xi32>
    %add3A_33 = arith.addi %add3A_32, %iota3A : vector<16xi32>
    %mul3A_34 = arith.constant 200 : i32
    %mul3A_35 = vector.broadcast %mul3A_34 : i32 to vector<16xi32>
    %mul3A_36 = arith.muli %add3A_33, %mul3A_35 : vector<16xi32>
    %get3A_37 = arith.constant 16 : index
    %get3A_38 = tpu.vector_load %arg7[%get3A_37] {strides = array<i32>} : memref<128xi32, #tpu.memory_space<vmem>>, vector<16xi32>,
    %get3A_39 = vector.shape_cast %get3A_38 : vector<16xi32> to vector<16xi32>
    %add3A_40 = arith.addi %get3A_39, %mul3A_36 : vector<16xi32>
    %swap3A_41 = arith.constant 16 : index
    %swap3A_42 = tpu.vector_load %arg7[%swap3A_41] {strides = array<i32>} : memref<128xi32, #tpu.memory_space<vmem>>, vector<16xi32>,
    %swap3A_43 = vector.shape_cast %swap3A_42 : vector<16xi32> to vector<16xi32>
    %swap3A_44 = vector.shape_cast %add3A_40 : vector<16xi32> to vector<16xi32>
    tpu.vector_store %arg7[%swap3A_41], %swap3A_44 {strides = array<i32>} : memref<128xi32, #tpu.memory_space<vmem>>, vector<16xi32>,
    %get3A_45 = arith.constant 16 : index
    %get3A_46 = tpu.vector_load %arg8[%get3A_45] {strides = array<i32>} : memref<128xi32, #tpu.memory_space<vmem>>, vector<16xi32>,
    %get3A_47 = vector.shape_cast %get3A_46 : vector<16xi32> to vector<16xi32>
    %add3A_48 = arith.addi %get3A_47, %mul3A_36 : vector<16xi32>
    %swap3A_49 = arith.constant 16 : index
    %swap3A_50 = tpu.vector_load %arg8[%swap3A_49] {strides = array<i32>} : memref<128xi32, #tpu.memory_space<vmem>>, vector<16xi32>,
    %swap3A_51 = vector.shape_cast %swap3A_50 : vector<16xi32> to vector<16xi32>
    %swap3A_52 = vector.shape_cast %add3A_48 : vector<16xi32> to vector<16xi32>
    tpu.vector_store %arg8[%swap3A_49], %swap3A_52 {strides = array<i32>} : memref<128xi32, #tpu.memory_space<vmem>>, vector<16xi32>,
    %add3A_53 = arith.constant 32 : i32
    %add3A_54 = arith.addi %mul3A_2, %add3A_53 : i32
    %add3A_55 = vector.broadcast %add3A_54 : i32 to vector<16xi32>
    %add3A_56 = arith.addi %add3A_55, %iota3A : vector<16xi32>
    %mul3A_57 = arith.constant 200 : i32
    %mul3A_58 = vector.broadcast %mul3A_57 : i32 to vector<16xi32>
    %mul3A_59 = arith.muli %add3A_56, %mul3A_58 : vector<16xi32>
    %get3A_60 = arith.constant 32 : index
    %get3A_61 = tpu.vector_load %arg7[%get3A_60] {strides = array<i32>} : memref<128xi32, #tpu.memory_space<vmem>>, vector<16xi32>,
    %get3A_62 = vector.shape_cast %get3A_61 : vector<16xi32> to vector<16xi32>
    %add3A_63 = arith.addi %get3A_62, %mul3A_59 : vector<16xi32>
    %swap3A_64 = arith.constant 32 : index
    %swap3A_65 = tpu.vector_load %arg7[%swap3A_64] {strides = array<i32>} : memref<128xi32, #tpu.memory_space<vmem>>, vector<16xi32>,
    %swap3A_66 = vector.shape_cast %swap3A_65 : vector<16xi32> to vector<16xi32>
    %swap3A_67 = vector.shape_cast %add3A_63 : vector<16xi32> to vector<16xi32>
    tpu.vector_store %arg7[%swap3A_64], %swap3A_67 {strides = array<i32>} : memref<128xi32, #tpu.memory_space<vmem>>, vector<16xi32>,
    %get3A_68 = arith.constant 32 : index
    %get3A_69 = tpu.vector_load %arg8[%get3A_68] {strides = array<i32>} : memref<128xi32, #tpu.memory_space<vmem>>, vector<16xi32>,
    %get3A_70 = vector.shape_cast %get3A_69 : vector<16xi32> to vector<16xi32>
    %add3A_71 = arith.addi %get3A_70, %mul3A_59 : vector<16xi32>
    %swap3A_72 = arith.constant 32 : index
    %swap3A_73 = tpu.vector_load %arg8[%swap3A_72] {strides = array<i32>} : memref<128xi32, #tpu.memory_space<vmem>>, vector<16xi32>,
    %swap3A_74 = vector.shape_cast %swap3A_73 : vector<16xi32> to vector<16xi32>
    %swap3A_75 = vector.shape_cast %add3A_71 : vector<16xi32> to vector<16xi32>
    tpu.vector_store %arg8[%swap3A_72], %swap3A_75 {strides = array<i32>} : memref<128xi32, #tpu.memory_space<vmem>>, vector<16xi32>,
    %add3A_76 = arith.constant 48 : i32
    %add3A_77 = arith.addi %mul3A_2, %add3A_76 : i32
    %add3A_78 = vector.broadcast %add3A_77 : i32 to vector<16xi32>
    %add3A_79 = arith.addi %add3A_78, %iota3A : vector<16xi32>
    %mul3A_80 = arith.constant 200 : i32
    %mul3A_81 = vector.broadcast %mul3A_80 : i32 to vector<16xi32>
    %mul3A_82 = arith.muli %add3A_79, %mul3A_81 : vector<16xi32>
    %get3A_83 = arith.constant 48 : index
    %get3A_84 = tpu.vector_load %arg7[%get3A_83] {strides = array<i32>} : memref<128xi32, #tpu.memory_space<vmem>>, vector<16xi32>,
    %get3A_85 = vector.shape_cast %get3A_84 : vector<16xi32> to vector<16xi32>
    %add3A_86 = arith.addi %get3A_85, %mul3A_82 : vector<16xi32>
    %swap3A_87 = arith.constant 48 : index
    %swap3A_88 = tpu.vector_load %arg7[%swap3A_87] {strides = array<i32>} : memref<128xi32, #tpu.memory_space<vmem>>, vector<16xi32>,
    %swap3A_89 = vector.shape_cast %swap3A_88 : vector<16xi32> to vector<16xi32>
    %swap3A_90 = vector.shape_cast %add3A_86 : vector<16xi32> to vector<16xi32>
    tpu.vector_store %arg7[%swap3A_87], %swap3A_90 {strides = array<i32>} : memref<128xi32, #tpu.memory_space<vmem>>, vector<16xi32>,
    %get3A_91 = arith.constant 48 : index
    %get3A_92 = tpu.vector_load %arg8[%get3A_91] {strides = array<i32>} : memref<128xi32, #tpu.memory_space<vmem>>, vector<16xi32>,
    %get3A_93 = vector.shape_cast %get3A_92 : vector<16xi32> to vector<16xi32>
    %add3A_94 = arith.addi %get3A_93, %mul3A_82 : vector<16xi32>
    %swap3A_95 = arith.constant 48 : index
    %swap3A_96 = tpu.vector_load %arg8[%swap3A_95] {strides = array<i32>} : memref<128xi32, #tpu.memory_space<vmem>>, vector<16xi32>,
    %swap3A_97 = vector.shape_cast %swap3A_96 : vector<16xi32> to vector<16xi32>
    %swap3A_98 = vector.shape_cast %add3A_94 : vector<16xi32> to vector<16xi32>
    tpu.vector_store %arg8[%swap3A_95], %swap3A_98 {strides = array<i32>} : memref<128xi32, #tpu.memory_space<vmem>>, vector<16xi32>,
    %add3A_99 = arith.constant 64 : i32
    %add3A_100 = arith.addi %mul3A_2, %add3A_99 : i32
    %add3A_101 = vector.broadcast %add3A_100 : i32 to vector<16xi32>
    %add3A_102 = arith.addi %add3A_101, %iota3A : vector<16xi32>
    %mul3A_103 = arith.constant 200 : i32
    %mul3A_104 = vector.broadcast %mul3A_103 : i32 to vector<16xi32>
    %mul3A_105 = arith.muli %add3A_102, %mul3A_104 : vector<16xi32>
    %get3A_106 = arith.constant 64 : index
    %get3A_107 = tpu.vector_load %arg7[%get3A_106] {strides = array<i32>} : memref<128xi32, #tpu.memory_space<vmem>>, vector<16xi32>,
    %get3A_108 = vector.shape_cast %get3A_107 : vector<16xi32> to vector<16xi32>
    %add3A_109 = arith.addi %get3A_108, %mul3A_105 : vector<16xi32>
    %swap3A_110 = arith.constant 64 : index
    %swap3A_111 = tpu.vector_load %arg7[%swap3A_110] {strides = array<i32>} : memref<128xi32, #tpu.memory_space<vmem>>, vector<16xi32>,
    %swap3A_112 = vector.shape_cast %swap3A_111 : vector<16xi32> to vector<16xi32>
    %swap3A_113 = vector.shape_cast %add3A_109 : vector<16xi32> to vector<16xi32>
    tpu.vector_store %arg7[%swap3A_110], %swap3A_113 {strides = array<i32>} : memref<128xi32, #tpu.memory_space<vmem>>, vector<16xi32>,
    %get3A_114 = arith.constant 64 : index
    %get3A_115 = tpu.vector_load %arg8[%get3A_114] {strides = array<i32>} : memref<128xi32, #tpu.memory_space<vmem>>, vector<16xi32>,
    %get3A_116 = vector.shape_cast %get3A_115 : vector<16xi32> to vector<16xi32>
    %add3A_117 = arith.addi %get3A_116, %mul3A_105 : vector<16xi32>
    %swap3A_118 = arith.constant 64 : index
    %swap3A_119 = tpu.vector_load %arg8[%swap3A_118] {strides = array<i32>} : memref<128xi32, #tpu.memory_space<vmem>>, vector<16xi32>,
    %swap3A_120 = vector.shape_cast %swap3A_119 : vector<16xi32> to vector<16xi32>
    %swap3A_121 = vector.shape_cast %add3A_117 : vector<16xi32> to vector<16xi32>
    tpu.vector_store %arg8[%swap3A_118], %swap3A_121 {strides = array<i32>} : memref<128xi32, #tpu.memory_space<vmem>>, vector<16xi32>,
    %add3A_122 = arith.constant 80 : i32
    %add3A_123 = arith.addi %mul3A_2, %add3A_122 : i32
    %add3A_124 = vector.broadcast %add3A_123 : i32 to vector<16xi32>
    %add3A_125 = arith.addi %add3A_124, %iota3A : vector<16xi32>
    %mul3A_126 = arith.constant 200 : i32
    %mul3A_127 = vector.broadcast %mul3A_126 : i32 to vector<16xi32>
    %mul3A_128 = arith.muli %add3A_125, %mul3A_127 : vector<16xi32>
    %get3A_129 = arith.constant 80 : index
    %get3A_130 = tpu.vector_load %arg7[%get3A_129] {strides = array<i32>} : memref<128xi32, #tpu.memory_space<vmem>>, vector<16xi32>,
    %get3A_131 = vector.shape_cast %get3A_130 : vector<16xi32> to vector<16xi32>
    %add3A_132 = arith.addi %get3A_131, %mul3A_128 : vector<16xi32>
    %swap3A_133 = arith.constant 80 : index
    %swap3A_134 = tpu.vector_load %arg7[%swap3A_133] {strides = array<i32>} : memref<128xi32, #tpu.memory_space<vmem>>, vector<16xi32>,
    %swap3A_135 = vector.shape_cast %swap3A_134 : vector<16xi32> to vector<16xi32>
    %swap3A_136 = vector.shape_cast %add3A_132 : vector<16xi32> to vector<16xi32>
    tpu.vector_store %arg7[%swap3A_133], %swap3A_136 {strides = array<i32>} : memref<128xi32, #tpu.memory_space<vmem>>, vector<16xi32>,
    %get3A_137 = arith.constant 80 : index
    %get3A_138 = tpu.vector_load %arg8[%get3A_137] {strides = array<i32>} : memref<128xi32, #tpu.memory_space<vmem>>, vector<16xi32>,
    %get3A_139 = vector.shape_cast %get3A_138 : vector<16xi32> to vector<16xi32>
    %add3A_140 = arith.addi %get3A_139, %mul3A_128 : vector<16xi32>
    %swap3A_141 = arith.constant 80 : index
    %swap3A_142 = tpu.vector_load %arg8[%swap3A_141] {strides = array<i32>} : memref<128xi32, #tpu.memory_space<vmem>>, vector<16xi32>,
    %swap3A_143 = vector.shape_cast %swap3A_142 : vector<16xi32> to vector<16xi32>
    %swap3A_144 = vector.shape_cast %add3A_140 : vector<16xi32> to vector<16xi32>
    tpu.vector_store %arg8[%swap3A_141], %swap3A_144 {strides = array<i32>} : memref<128xi32, #tpu.memory_space<vmem>>, vector<16xi32>,
    %add3A_145 = arith.constant 96 : i32
    %add3A_146 = arith.addi %mul3A_2, %add3A_145 : i32
    %add3A_147 = vector.broadcast %add3A_146 : i32 to vector<16xi32>
    %add3A_148 = arith.addi %add3A_147, %iota3A : vector<16xi32>
    %mul3A_149 = arith.constant 200 : i32
    %mul3A_150 = vector.broadcast %mul3A_149 : i32 to vector<16xi32>
    %mul3A_151 = arith.muli %add3A_148, %mul3A_150 : vector<16xi32>
    %get3A_152 = arith.constant 96 : index
    %get3A_153 = tpu.vector_load %arg7[%get3A_152] {strides = array<i32>} : memref<128xi32, #tpu.memory_space<vmem>>, vector<16xi32>,
    %get3A_154 = vector.shape_cast %get3A_153 : vector<16xi32> to vector<16xi32>
    %add3A_155 = arith.addi %get3A_154, %mul3A_151 : vector<16xi32>
    %swap3A_156 = arith.constant 96 : index
    %swap3A_157 = tpu.vector_load %arg7[%swap3A_156] {strides = array<i32>} : memref<128xi32, #tpu.memory_space<vmem>>, vector<16xi32>,
    %swap3A_158 = vector.shape_cast %swap3A_157 : vector<16xi32> to vector<16xi32>
    %swap3A_159 = vector.shape_cast %add3A_155 : vector<16xi32> to vector<16xi32>
    tpu.vector_store %arg7[%swap3A_156], %swap3A_159 {strides = array<i32>} : memref<128xi32, #tpu.memory_space<vmem>>, vector<16xi32>,
    %get3A_160 = arith.constant 96 : index
    %get3A_161 = tpu.vector_load %arg8[%get3A_160] {strides = array<i32>} : memref<128xi32, #tpu.memory_space<vmem>>, vector<16xi32>,
    %get3A_162 = vector.shape_cast %get3A_161 : vector<16xi32> to vector<16xi32>
    %add3A_163 = arith.addi %get3A_162, %mul3A_151 : vector<16xi32>
    %swap3A_164 = arith.constant 96 : index
    %swap3A_165 = tpu.vector_load %arg8[%swap3A_164] {strides = array<i32>} : memref<128xi32, #tpu.memory_space<vmem>>, vector<16xi32>,
    %swap3A_166 = vector.shape_cast %swap3A_165 : vector<16xi32> to vector<16xi32>
    %swap3A_167 = vector.shape_cast %add3A_163 : vector<16xi32> to vector<16xi32>
    tpu.vector_store %arg8[%swap3A_164], %swap3A_167 {strides = array<i32>} : memref<128xi32, #tpu.memory_space<vmem>>, vector<16xi32>,
    %add3A_168 = arith.constant 112 : i32
    %add3A_169 = arith.addi %mul3A_2, %add3A_168 : i32
    %add3A_170 = vector.broadcast %add3A_169 : i32 to vector<16xi32>
    %add3A_171 = arith.addi %add3A_170, %iota3A : vector<16xi32>
    %mul3A_172 = arith.constant 200 : i32
    %mul3A_173 = vector.broadcast %mul3A_172 : i32 to vector<16xi32>
    %mul3A_174 = arith.muli %add3A_171, %mul3A_173 : vector<16xi32>
    %get3A_175 = arith.constant 112 : index
    %get3A_176 = tpu.vector_load %arg7[%get3A_175] {strides = array<i32>} : memref<128xi32, #tpu.memory_space<vmem>>, vector<16xi32>,
    %get3A_177 = vector.shape_cast %get3A_176 : vector<16xi32> to vector<16xi32>
    %add3A_178 = arith.addi %get3A_177, %mul3A_174 : vector<16xi32>
    %swap3A_179 = arith.constant 112 : index
    %swap3A_180 = tpu.vector_load %arg7[%swap3A_179] {strides = array<i32>} : memref<128xi32, #tpu.memory_space<vmem>>, vector<16xi32>,
    %swap3A_181 = vector.shape_cast %swap3A_180 : vector<16xi32> to vector<16xi32>
    %swap3A_182 = vector.shape_cast %add3A_178 : vector<16xi32> to vector<16xi32>
    tpu.vector_store %arg7[%swap3A_179], %swap3A_182 {strides = array<i32>} : memref<128xi32, #tpu.memory_space<vmem>>, vector<16xi32>,
    %get3A_183 = arith.constant 112 : index
    %get3A_184 = tpu.vector_load %arg8[%get3A_183] {strides = array<i32>} : memref<128xi32, #tpu.memory_space<vmem>>, vector<16xi32>,
    %get3A_185 = vector.shape_cast %get3A_184 : vector<16xi32> to vector<16xi32>
    %add3A_186 = arith.addi %get3A_185, %mul3A_174 : vector<16xi32>
    %swap3A_187 = arith.constant 112 : index
    %swap3A_188 = tpu.vector_load %arg8[%swap3A_187] {strides = array<i32>} : memref<128xi32, #tpu.memory_space<vmem>>, vector<16xi32>,
    %swap3A_189 = vector.shape_cast %swap3A_188 : vector<16xi32> to vector<16xi32>
    %swap3A_190 = vector.shape_cast %add3A_186 : vector<16xi32> to vector<16xi32>
    tpu.vector_store %arg8[%swap3A_187], %swap3A_190 {strides = array<i32>} : memref<128xi32, #tpu.memory_space<vmem>>, vector<16xi32>,
    %dma_start3A_191 = arith.constant 0 : i32
    %dma_start3A_192 = arith.constant 0 : i32
    %dma_start3A_193 = tpu.memref_slice %arg5[%dma_start3A_191, %dma_start3A_192] : memref<819200x128xf32, #tpu.memory_space<hbm>> -> memref<819200x128xf32, #tpu.memory_space<hbm>>
    tpu.enqueue_indirect_dma source(%dma_start3A_193 : memref<819200x128xf32, #tpu.memory_space<hbm>>) target(%arg9 : memref<128x128xf32, #tpu.memory_space<vmem>>) offsets(%arg7 : memref<128xi32, #tpu.memory_space<vmem>>) semaphore(%arg12 : memref<!tpu.dma_semaphore, #tpu.memory_space<semaphore_mem>>)
    %dma_start3A_194 = arith.constant 0 : i32
    %dma_start3A_195 = arith.constant 0 : i32
    %dma_start3A_196 = tpu.memref_slice %arg4[%dma_start3A_194, %dma_start3A_195] : memref<819200x128xf32, #tpu.memory_space<hbm>> -> memref<819200x128xf32, #tpu.memory_space<hbm>>
    tpu.enqueue_indirect_dma source(%dma_start3A_196 : memref<819200x128xf32, #tpu.memory_space<hbm>>) target(%arg10 : memref<128x128xf32, #tpu.memory_space<vmem>>) offsets(%arg8 : memref<128xi32, #tpu.memory_space<vmem>>) semaphore(%arg11 : memref<!tpu.dma_semaphore, #tpu.memory_space<semaphore_mem>>)
    %dma_wait3A_197 = arith.constant 0 : i32
    %dma_wait3A_198 = arith.constant 0 : i32
    %dma_wait3A_199 = tpu.memref_slice %arg5[%dma_wait3A_197, %dma_wait3A_198] : memref<819200x128xf32, #tpu.memory_space<hbm>> -> memref<819200x128xf32, #tpu.memory_space<hbm>>
    tpu.wait_indirect_dma semaphore(%arg12 : memref<!tpu.dma_semaphore, #tpu.memory_space<semaphore_mem>>) src(%dma_wait3A_199 : memref<819200x128xf32, #tpu.memory_space<hbm>>) dst(%arg9 : memref<128x128xf32, #tpu.memory_space<vmem>>)
    %dma_start3A_200 = arith.constant 0 : i32
    %dma_start3A_201 = tpu.memref_slice %arg6[%mul3A_2, %dma_start3A_200] : memref<4096x256xf32, #tpu.memory_space<hbm>> -> memref<128x128xf32, #tpu.memory_space<hbm>>
    %dma_start3A_202 = arith.constant 0 : i32
    %dma_start3A_203 = tpu.memref_slice %arg6[%mul3A_2, %dma_start3A_202] : memref<4096x256xf32, #tpu.memory_space<hbm>> -> memref<128x128xf32, #tpu.memory_space<hbm>>
    tpu.enqueue_dma source(%arg9 : memref<128x128xf32, #tpu.memory_space<vmem>>) target(%dma_start3A_203 : memref<128x128xf32, #tpu.memory_space<hbm>>) target_semaphore(%arg13 : memref<!tpu.dma_semaphore, #tpu.memory_space<semaphore_mem>>)
    %dma_wait3A_204 = arith.constant 0 : i32
    %dma_wait3A_205 = arith.constant 0 : i32
    %dma_wait3A_206 = tpu.memref_slice %arg4[%dma_wait3A_204, %dma_wait3A_205] : memref<819200x128xf32, #tpu.memory_space<hbm>> -> memref<819200x128xf32, #tpu.memory_space<hbm>>
    tpu.wait_indirect_dma semaphore(%arg11 : memref<!tpu.dma_semaphore, #tpu.memory_space<semaphore_mem>>) src(%dma_wait3A_206 : memref<819200x128xf32, #tpu.memory_space<hbm>>) dst(%arg10 : memref<128x128xf32, #tpu.memory_space<vmem>>)
    %dma_start3A_207 = arith.constant 128 : i32
    %dma_start3A_208 = tpu.memref_slice %arg6[%mul3A_2, %dma_start3A_207] : memref<4096x256xf32, #tpu.memory_space<hbm>> -> memref<128x128xf32, #tpu.memory_space<hbm>>
    %dma_start3A_209 = arith.constant 128 : i32
    %dma_start3A_210 = tpu.memref_slice %arg6[%mul3A_2, %dma_start3A_209] : memref<4096x256xf32, #tpu.memory_space<hbm>> -> memref<128x128xf32, #tpu.memory_space<hbm>>
    tpu.enqueue_dma source(%arg10 : memref<128x128xf32, #tpu.memory_space<vmem>>) target(%dma_start3A_210 : memref<128x128xf32, #tpu.memory_space<hbm>>) target_semaphore(%arg13 : memref<!tpu.dma_semaphore, #tpu.memory_space<semaphore_mem>>)
    %dma_wait3A_211 = arith.constant 0 : i32
    %dma_wait3A_212 = tpu.memref_slice %arg6[%mul3A_2, %dma_wait3A_211] : memref<4096x256xf32, #tpu.memory_space<hbm>> -> memref<128x128xf32, #tpu.memory_space<hbm>>
    %dma_wait3A_213 = arith.constant 0 : i32
    %dma_wait3A_214 = tpu.memref_slice %arg6[%mul3A_2, %dma_wait3A_213] : memref<4096x256xf32, #tpu.memory_space<hbm>> -> memref<128x128xf32, #tpu.memory_space<hbm>>
    tpu.wait_dma2 semaphore(%arg13 : memref<!tpu.dma_semaphore, #tpu.memory_space<semaphore_mem>>) src(%arg9 : memref<128x128xf32, #tpu.memory_space<vmem>>) dst(%dma_wait3A_214 : memref<128x128xf32, #tpu.memory_space<hbm>>)
    %dma_wait3A_215 = arith.constant 128 : i32
    %dma_wait3A_216 = tpu.memref_slice %arg6[%mul3A_2, %dma_wait3A_215] : memref<4096x256xf32, #tpu.memory_space<hbm>> -> memref<128x128xf32, #tpu.memory_space<hbm>>
    %dma_wait3A_217 = arith.constant 128 : i32
    %dma_wait3A_218 = tpu.memref_slice %arg6[%mul3A_2, %dma_wait3A_217] : memref<4096x256xf32, #tpu.memory_space<hbm>> -> memref<128x128xf32, #tpu.memory_space<hbm>>
    tpu.wait_dma2 semaphore(%arg13 : memref<!tpu.dma_semaphore, #tpu.memory_space<semaphore_mem>>) src(%arg10 : memref<128x128xf32, #tpu.memory_space<vmem>>) dst(%dma_wait3A_218 : memref<128x128xf32, #tpu.memory_space<hbm>>)
    return
  }
}

</mosaic_0001>

<sc_bundles>
// kernel: kernel.3.cloned.1.call-start
scs
__scs_entry_jumppad:
0x0: {  	(pc) =	sbr.rel $0x88, $3  }
0x1: {  	(tag) =	ssettag $0x0;
	lr =	simm.s32 $0x1  }
0x2: {  	[smem:$0x3F9D] =	sst lr;
	_ =	strace $0xD0000000  }
0x3: {  	_ = 	snop  }
0x4: {  	_ = 	snop  }
0x5: {  	_ = 	snop  }
0x6: {  	_ = 	snop  }
0x7: {  	_ = 	snop  }
__scs_overlays_trampoline_lowered:
0x8: {  	[smem:$0x3FAC] =	sst s0  }
0x9: {  	[smem:$0x3FAD] =	sst s1  }
0xa: {  	[smem:$0x3FAE] =	sst s2  }
0xb: {  	[smem:$0x3FAF] =	sst s3  }
0xc: {  	[smem:$0x3FB0] =	sst s4  }
0xd: {  	[smem:$0x3FB1] =	sst s5  }
0xe: {  	[smem:$0x3FB2] =	sst s6  }
0xf: {  	[smem:$0x3FB3] =	sst s7  }
0x10: {  	[smem:$0x3FB4] =	sst s8  }
0x11: {  	[smem:$0x3FB5] =	sst s9;
	s0 =	simm.s32 @!p0 $0x0  }
0x12: {  	s1 =	sld [smem:$0x3F9B];
	s0 =	simm.s32 @p0 $0x1  }
0x13: {  	[smem:$0x3FB6] =	sst s0;
	s0 =	simm.s32 @!p1 $0x0  }
0x14: {  	s2 =	sld [smem:$0x3F9A];
	s0 =	simm.s32 @p1 $0x1  }
0x15: {  	[smem:$0x3FB7] =	sst s0;
	s0 =	simm.s32 @!p2 $0x0  }
0x16: {  	s3 =	sld [smem:$0x3FDB];
	s0 =	simm.s32 @p2 $0x1  }
0x17: {  	s4 =	simm.s32 $0x1BF5;
	[smem:$0x3FB9] =	sst s0  }
0x18: {  	s0 =	sld [smem:$0x3F9C];
	_ =	swait.ge [sflag:s4], $0x0  }
0x19: {  	s7 =	sld [smem:$0x3F9D]  }
0x1a: {  	s8 =	sadd.s32 $0xFFFFE003, lr  }
0x1b: {  	s9 =	sadd.s32 $0xFFFFFEF7, lr;
	s5 =	simm.s32 $0xFFFFFFFF;
	p2 =	slt.u32 s8, $0xFFFFF086  }
0x1c: {  	p1 =	slt.u32 s9, $0xF7A;
	s5 =	simm.s32 @!p2 $0x0  }
0x1d: {  	s5 =	simm.s32 @p1 $0x1;
	p0 =	seq.s32 s7, s2  }
0x1e: {  	s7 =	smul.u32 @!p0 $0xF7A, s2;
	p2 =	seq.s32 @!p0 s5, $0x0  }
0x1f: {  	s9 =	smul.u32 $0xF7A, s1;
	s8 =	simm.s32 @!p0 $0x1BF5;
	p2 =	por !p2, p0  }
0x20: {  	[sflag:s8] =	ssyncset.s32 @!p0 $0xFFFFF086;
	s6 =	sadd.s32 @!p0 s3, s7;
	s7 =	simm.s32 @!p0 $0x108  }
0x21: {  	s3 =	sadd.s32 s3, s9;
	s6 =	sadd.s32 @!p0 $0x88, s6;
	s7 =	simm.s32 @p2 $0x1082  }
0x22: {  	[simem:s7], [sflag:s8] =	dma.local @!p0 [hbm:s6], $0xF7A  }
0x23: {  	s9 =	sor.u32 $0xD0000000, s2;
	s6 =	simm.s32 $0x108;
	_ =	swait.ge @!p0 [sflag:s8], $0x0  }
0x24: {  	s3 =	sadd.s32 $0x88, s3;
	s6 =	simm.s32 @!p1 $0x1082;
	[sflag:s4] =	ssyncset.s32 $0xFFFFF086  }
0x25: {  	[simem:s6], [sflag:s4] =	dma.local [hbm:s3], $0xF7A  }
0x26: {  	[smem:$0x3F9D] =	sst s1;
	(tag) =	ssettag s2;
	_ =	strace s9  }
0x27: {  	s1 =	sld [smem:$0x3FAD]  }
0x28: {  	s2 =	sld [smem:$0x3FAE]  }
0x29: {  	s4 =	sld [smem:$0x3FB0]  }
0x2a: {  	p0 =	seq.s32 s5, $0x0;
	s5 =	sld [smem:$0x3FB1]  }
0x2b: {  	s6 =	sld [smem:$0x3FB2]  }
0x2c: {  	s7 =	sld [smem:$0x3FB3]  }
0x2d: {  	s3 =	simm.s32 $0x108;
	s8 =	sld [smem:$0x3FB4]  }
0x2e: {  	s3 =	simm.s32 @!p0 $0x1082;
	s9 =	sld [smem:$0x3FB5]  }
0x2f: {  	lr =	sadd.s32 s0, s3;
	s0 =	sld [smem:$0x3FAC]  }
0x30: {  	s3 =	sld [smem:$0x3FAF]  }
0x31: {  	[smem:$0x3FB8] =	sst s10  }
0x32: {  	s10 =	sld [smem:$0x3FB6];
	_ =	sdelay $0x3  }
0x33: {  	p0 =	seq.s32 s10, $0x1;
	s10 =	sld [smem:$0x3FB8];
	_ =	sdelay $0x3  }
0x34: {  	[smem:$0x3FB8] =	sst s10  }
0x35: {  	s10 =	sld [smem:$0x3FB7];
	_ =	sdelay $0x3  }
0x36: {  	p1 =	seq.s32 s10, $0x1;
	s10 =	sld [smem:$0x3FB8];
	_ =	sdelay $0x3  }
0x37: {  	[smem:$0x3FB8] =	sst s10  }
0x38: {  	s10 =	sld [smem:$0x3FB9]  }
0x39: {  	_ = 	snop;
	(pc) =	sbr.ind lr, $3  }
0x3a: {  	_ = 	snop  }
0x3b: {  	_ = 	snop  }
0x3c: {  	p2 =	seq.s32 s10, $0x1;
	s10 =	sld [smem:$0x3FB8]  }
0x3d: {  	_ =	shalt  }
0x3e: {  	_ =	shalt  }
0x3f: {  	_ =	shalt  }
0x40: {  	_ =	shalt  }
0x41: {  	_ =	shalt  }
0x42: {  	_ =	shalt  }
0x43: {  	_ =	shalt  }
0x44: {  	_ =	shalt  }
0x45: {  	_ =	shalt  }
0x46: {  	_ =	shalt  }
0x47: {  	_ =	shalt  }
0x48: {  	_ =	shalt  }
0x49: {  	_ =	shalt  }
0x4a: {  	_ =	shalt  }
0x4b: {  	_ =	shalt  }
0x4c: {  	_ =	shalt  }
0x4d: {  	_ =	shalt  }
0x4e: {  	_ =	shalt  }
0x4f: {  	_ =	shalt  }
0x50: {  	_ =	shalt  }
0x51: {  	_ =	shalt  }
0x52: {  	_ =	shalt  }
0x53: {  	_ =	shalt  }
0x54: {  	_ =	shalt  }
0x55: {  	_ =	shalt  }
0x56: {  	_ =	shalt  }
0x57: {  	_ =	shalt  }
0x58: {  	_ =	shalt  }
0x59: {  	_ =	shalt  }
0x5a: {  	_ =	shalt  }
0x5b: {  	_ =	shalt  }
0x5c: {  	_ =	shalt  }
0x5d: {  	_ =	shalt  }
0x5e: {  	_ =	shalt  }
0x5f: {  	_ =	shalt  }
0x60: {  	_ =	shalt  }
0x61: {  	_ =	shalt  }
0x62: {  	_ =	shalt  }
0x63: {  	_ =	shalt  }
0x64: {  	_ =	shalt  }
0x65: {  	_ =	shalt  }
0x66: {  	_ =	shalt  }
0x67: {  	_ =	shalt  }
0x68: {  	_ =	shalt  }
0x69: {  	_ =	shalt  }
0x6a: {  	_ =	shalt  }
0x6b: {  	_ =	shalt  }
0x6c: {  	_ =	shalt  }
0x6d: {  	_ =	shalt  }
0x6e: {  	_ =	shalt  }
0x6f: {  	_ =	shalt  }
0x70: {  	_ =	shalt  }
0x71: {  	_ =	shalt  }
0x72: {  	_ =	shalt  }
0x73: {  	_ =	shalt  }
0x74: {  	_ =	shalt  }
0x75: {  	_ =	shalt  }
0x76: {  	_ =	shalt  }
0x77: {  	_ =	shalt  }
0x78: {  	_ =	shalt  }
0x79: {  	_ =	shalt  }
0x7a: {  	_ =	shalt  }
0x7b: {  	_ =	shalt  }
0x7c: {  	_ =	shalt  }
0x7d: {  	_ =	shalt  }
0x7e: {  	_ =	shalt  }
0x7f: {  	_ =	shalt  }
0x80: {  	_ =	shalt  }
0x81: {  	_ =	shalt  }
0x82: {  	_ =	shalt  }
0x83: {  	_ =	shalt  }
0x84: {  	_ =	shalt  }
0x85: {  	_ =	shalt  }
0x86: {  	_ =	shalt  }
0x87: {  	_ =	shalt  }
.Lfunc_end0:
.L_simem_size_0:
called_computation_lowered:
.L_overlay_start_0:
0x88: {  	s2 =	sld [smem:$0x3FD9]  }
0x89: {  	s3 =	sld [smem:$0x3FFE];
	_ =	sdelay $0x1  }
0x8a: {  	s1 =	srdreg.scid  }
0x8b: {  	s0 =	sand.u32 $0x1, s1  }
0x8c: {  	s18 =	sshll.u32 s0, $0xA;
	s2 =	sadd.s32 s3, s2  }
0x8d: {  	s2 =	sadd.s32 s2, s18  }
0x8e: {  	[smem:$0x3FC4] =	sst s2  }
0x8f: {  	_ = 	snop  }
0x90: {  	s2 =	sld [smem:$0x3FC9]  }
0x91: {  	s19 =	sld [smem:$0x3FC8]  }
0x92: {  	s4 =	sld [smem:$0x3FC7]  }
0x93: {  	s5 =	sld [smem:$0x3FC6]  }
0x94: {  	s6 =	sld [smem:$0x3FD0];
	(tm) =	ssettm $0x1  }
0x95: {  	s7 =	sld [smem:$0x3FFB];
	_ =	sdelay $0x3  }
0x96: {  	_ =	strace s7  }
0x97: {  	s7 =	sld [smem:$0x3FFC];
	_ =	sdelay $0x3  }
0x98: {  	_ =	strace s7  }
0x99: {  	s7 =	sld [smem:$0x3FFD];
	_ =	sdelay $0x3  }
0x9a: {  	_ =	strace s7  }
0x9b: {  	_ =	strace $0x8FFFFFFF  }
0x9c: {  	s20 =	sld [smem:$0x3FDB];
	_ =	sdelay $0x1  }
0x9d: {  	s8 =	simm.s32 $_scs_section_size  }
0x9e: {  	s9 =	simm.s32 $_size__tile_overlayer_lowered;
	s10 =	simm.s32 $_tile_overlayer_lowered  }
0x9f: {  	s23 =	simm.s32 $0x1BFF;
	s22 =	sshll.u32 s10, $0x1;
	s7 =	sadd.s32 s8, s20  }
0xa0: {  	s11 =	simm.s32 $0x0;
	s21 =	sshll.u32 s9, $0x1;
	s9 =	sadd.s32 s22, s7  }
0xa1: {  	[timem:s11], [sflag:s23] =	dma.local [hbm:s9], s21  }
0xa2: {  	_ =	swait.ge [sflag:s23], s21  }
0xa3: {  	s8 =	ssub.s32 $0x0, s21;
	[sflag:s23] =	ssyncset.done $0x0  }
0xa4: {  	[sflag:s23] =	ssyncadd.s32 s8;
	_ =	sdelay $0x1  }
0xa5: {  	s24 =	simm.s32 $0x1B8B  }
0xa6: {  	_ =	swait.ge [sflag:s24], $0x1  }
0xa7: {  	[sflag:s24] =	ssyncset.done $0x0  }
0xa8: {  	s25 =	simm.s32 $0x1B8E;
	[sflag:s24] =	ssyncadd.s32 $0xFFFFFFFF  }
0xa9: {  	s26 =	simm.s32 $execute0_lowered;
	[smem:$0x3FD2] =	sst s25  }
0xaa: {  	s8 =	sshll.u32 s26, $0x1;
	_ =	strace $0x80000046;
	[dreg:$0x1] =	wrdreg $0xFFFFFFFF  }
0xab: {  	s28 =	simm.s32 $_size_execute0_lowered;
	s7 =	sadd.s32 s7, s8;
	[dreg:$0x0] =	wrdreg $0x0  }
0xac: {  	s8 =	sshll.u32 s28, $0x1;
	[dreg:$0x2] =	wrdreg s7  }
0xad: {  	[dreg:$0x3] =	wrdreg s8  }
0xae: {  	[dreg:$0x4] =	wrdreg $0xC0  }
0xaf: {  	_ =	task [dreg:s11], $0x5FFFF  }
0xb0: {  	[dreg:$0x1] =	wrdreg $0xFFFFFFFF  }
0xb1: {  	[dreg:$0x0] =	wrdreg $0x60  }
0xb2: {  	[dreg:$0x2] =	wrdreg s2  }
0xb3: {  	[dreg:$0x3] =	wrdreg s19  }
0xb4: {  	[dreg:$0x4] =	wrdreg s4  }
0xb5: {  	[dreg:$0x5] =	wrdreg s5  }
0xb6: {  	[dreg:$0x6] =	wrdreg s6  }
0xb7: {  	[dreg:$0x7] =	wrdreg $0x9  }
0xb8: {  	_ =	task.clear_ibuf [dreg:s11], $0x8FFFF;
	_ =	strace $0x90000046  }
0xb9: {  	s29 =	simm.s32 $0x9;
	_ =	strace $0x80000048  }
0xba: {  	_ =	swait.ge [sflag:s29], $0x1  }
0xbb: {  	[sflag:s29] =	ssyncadd.s32 $0xFFFFFFFF  }
0xbc: {  	_ =	strace $0x90000048  }
0xbd: {  	_ =	sfence  }
0xbe: {  	s30 =	sld [smem:$0x0];
	_ =	sdelay $0x2  }
0xbf: {  	s31 =	sshll.u32 s1, $0xD;
	s1 =	sshrl.u32 s1, $0x2  }
0xc0: {  	s3 =	sand.u32 $0x4000, s31;
	s1 =	sadd.s32 s1, s30  }
0xc1: {  	s0 =	sor.u32 s3, s0;
	s1 =	sshll.u32 s1, $0x11  }
0xc2: {  	s0 =	sor.u32 s1, s0  }
0xc3: {  	s0 =	sadd.s32 $0x8F2B, s0  }
0xc4: {  	[sflag:s0] =	ssyncadd.remote.s32 $0x1  }
0xc5: {  	_ =	sfence.sel $0xFFFF  }
0xc6: {  	[dreg:$0x0] =	wrdreg $0xFFFFFFFF;
	(pc) =	sbr.abs _section_cstart, $3  }
0xc7: {  	[dreg:$0x1] =	wrdreg $0xFFFFFFFF  }
0xc8: {  	_ =	task.clear_ibuf [dreg:s11], $0x2FFFF;
	_ =	strace $0x9FFFFFFF  }
0xc9: {  	(tm) =	ssettm $0x7FFFFFFF  }
tec
execute0_lowered:
.L_overlay_start_1:
0x0: {  	(tag) =	ssettag $0x1  }
0x1: {  	s5 =	rddreg [dreg:$0x0]  }
0x2: {  	s7 =	rddreg [dreg:$0x1];
	s1 =	srdreg.scid  }
0x3: {  	s2 =	rddreg [dreg:$0x2];
	s0 =	stileid.u32;
	s10 =	sand.u32 $0x1, s1  }
0x4: {  	s3 =	rddreg [dreg:$0x3];
	s8 =	sshll.u32 s0, $0x7;
	s6 =	sshll.u32 s10, $0xB  }
0x5: {  	s9 =	rddreg [dreg:$0x4];
	s4 =	simm.s32 $0x0;
	s11 =	sor.u32 s8, s6  }
0x6: {  	[smem:$0x7FF] =	sst s4;
	s8 =	sshrl.u32 s11, $0x3  }
0x7: {  	s1 =	rddreg [dreg:$0x5];
	_ =	strace $0x80000047;
	s6 =	sadd.s32 s5, s8  }
0x8: {  	[tilespmem:s4], [sflag:$0x1] =	stream.linear.gather [hbm4b:s6+s4], $0x80, $0x38;
	[tilespmem:$0x8100] =	vst v63  }
0x9: {  	s8 =	sadd.s32 s7, s8;
	s7 =	simm.s32 $0x80;
	s5 =	simm.s32 $0x1  }
0xa: {  	[tilespmem:s7], [sflag:$0x1] =	stream.linear.gather [hbm4b:s8+s4], $0x80, $0x38;
	[tilespmem:$0x8100] =	vst v63  }
0xb: {  	_ =	swait.ge [sflag:s5], $0x80  }
0xc: {  	[sflag:s5] =	ssyncset.done $0x0  }
0xd: {  	[sflag:s5] =	ssyncadd.s32 $0xFFFFFF80  }
0xe: {  	_ =	swait.ge [sflag:s5], $0x80  }
0xf: {  	s25 =	sor.u32 $0x70, s11;
	[sflag:s5] =	ssyncset.done $0x0  }
0x10: {  	v1 =	vlaneseq.u32;
	v2 =	vmov s25;
	[sflag:s5] =	ssyncadd.s32 $0xFFFFFF80  }
0x11: {  	v7 =	vmul.u32 $0xC8, v1;
	s12 =	sor.u32 $0x10, s11;
	s26 =	sor.u32 $0x60, s11;
	v1 =	vmul.u32 $0xC8, v2;
	v2 =	vld [tilespmem:$0xF0]  }
0x12: {  	s13 =	sor.u32 $0x20, s11;
	s14 =	sor.u32 $0x50, s11;
	v0 =	vmov s12;
	v4 =	vmov s26;
	v3 =	vld [tilespmem:$0x90]  }
0x13: {  	s28 =	sor.u32 $0x30, s11;
	v6 =	vmov s13;
	v8 =	vmov s14;
	v0 =	vmul.u32 $0xC8, v0;
	v5 =	vld [tilespmem:$0x70]  }
0x14: {  	s29 =	sor.u32 $0x40, s11;
	v10 =	vmov s28;
	v6 =	vmul.u32 $0xC8, v6;
	v1 =	vbroadcast v1, $0x0;
	v54 =	vld [tilespmem:$0xA0]  }
0x15: {  	v12 =	vmov s29;
	v4 =	vmul.u32 $0xC8, v4;
	v0 =	vbroadcast v0, $0x0;
	v9 =	vld [tilespmem:$0x60]  }
0x16: {  	v8 =	vmul.u32 $0xC8, v8;
	v6 =	vbroadcast v6, $0x0;
	v1 =	vadd.s32 v7, v1;
	v11 =	vld [tilespmem:$0xD0]  }
0x17: {  	v10 =	vmul.u32 $0xC8, v10;
	v0 =	vadd.s32 v7, v0;
	v13 =	vld [tilespmem:$0x50];
	v2 =	vadd.s32 v1, v2  }
0x18: {  	v4 =	vbroadcast v4, $0x0;
	v6 =	vadd.s32 v7, v6;
	v58 =	vld [tilespmem:$0xE0];
	v3 =	vadd.s32 v0, v3;
	[tilespmem:$0xF0] =	vst v2  }
0x19: {  	v8 =	vbroadcast v8, $0x0;
	v53 =	vbroadcast v10, $0x0;
	v14 =	vld [tilespmem:$0xC0];
	v10 =	vadd.s32 v6, v54;
	[tilespmem:$0x90] =	vst v3  }
0x1a: {  	v12 =	vmul.u32 $0xC8, v12;
	v55 =	vld [tilespmem:$0x20];
	v2 =	vadd.s32 v7, v4;
	v4 =	vadd.s32 v1, v5;
	[tilespmem:$0xA0] =	vst v10  }
0x1b: {  	v3 =	vadd.s32 v7, v8;
	v8 =	vld [tilespmem:$0xB0];
	v9 =	vadd.s32 v2, v9;
	[tilespmem:$0x70] =	vst v4  }
0x1c: {  	v60 =	vld [tilespmem:$0x10];
	v5 =	vbroadcast v12, $0x0;
	v11 =	vadd.s32 v3, v11;
	[tilespmem:$0x60] =	vst v9  }
0x1d: {  	v62 =	vadd.s32 v2, v58;
	[tilespmem:$0xD0] =	vst v11  }
0x1e: {  	v15 =	vld [tilespmem:$0x40];
	v4 =	vadd.s32 v7, v5;
	v5 =	vadd.s32 v3, v13;
	[tilespmem:$0xE0] =	vst v62  }
0x1f: {  	s10 =	ssub.s32 $0x2, s10;
	v59 =	vmov s11;
	v52 =	vld [tilespmem:$0x30];
	v11 =	vadd.s32 v6, v55;
	[tilespmem:$0x50] =	vst v5;
	v5 =	vadd.s32 v7, v53  }
0x20: {  	s30 =	sshrl.u32 s10, $0x1;
	v61 =	vld [tilespmem:$0x0];
	v56 =	vadd.s32 v4, v14;
	v14 =	vmul.u32 $0xC8, v59;
	[tilespmem:$0x20] =	vst v11;
	v8 =	vadd.s32 v5, v8  }
0x21: {  	s31 =	ssub.s32 s10, s30;
	v9 =	vadd.s32 v0, v60;
	[tilespmem:$0xB0] =	vst v8;
	v8 =	vld [tilespmem:$0x80]  }
0x22: {  	s17 =	smax.u32 s31, $0x1;
	[tilespmem:$0x10] =	vst v9;
	v14 =	vbroadcast v14, $0x0  }
0x23: {  	p0 =	sne.s32 s17, $0x1;
	v57 =	vadd.s32 v4, v15;
	[tilespmem:$0xC0] =	vst v56  }
.Ltmp0:
0x24: {  	s11 =	sshll.u32 s11, $0x5;
	[tilespmem:$0x40] =	vst v57;
	v12 =	vadd.s32 v5, v52;
	v7 =	vadd.s32 v7, v14;
	(pc) =	sbr.rel @!p0 .LBB2_2-.Ltmp0, $4  }
0x25: {  	s16 =	simm.s32 $0x2;
	s15 =	simm.s32 $0x800;
	s9 =	sadd.s32 s9, s11;
	[tilespmem:$0x30] =	vst v12;
	v63 =	vadd.s32 v7, v61  }
0x26: {  	s13 =	simm.s32 $0x100;
	s11 =	simm.s32 $0x4100;
	s14 =	simm.s32 $0x400;
	[tilespmem:$0x0] =	vst v63;
	v8 =	vadd.s32 v7, v8  }
0x27: {  	s12 =	simm.s32 $0x3;
	s10 =	sadd.s32 $0x80, s9;
	s17 =	sadd.s32 $0xFFFFFFFF, s17;
	[tilespmem:$0x80] =	vst v8  }
0x28: {  	[tilespmem:s13], [sflag:$0x2] =	stream.indirect.gather [hbm4b:s3+s7], $0x80, s4, s7, $0xb8;
	[tilespmem:$0x8100] =	vst v63  }
.LBB2_1:
0x29: {  	p0 =	sne.s32 s17, $0x1;
	s17 =	sadd.s32 $0xFFFFFFFF, s17  }
0x2a: {  	[tilespmem:s11], [sflag:$0x1] =	stream.indirect.gather [hbm4b:s2+s7], $0x80, s7, s7, $0xb8;
	[tilespmem:$0x8100] =	vst v63  }
0x2b: {  	_ =	swait.ge [sflag:s16], $0x4000  }
0x2c: {  	[sflag:s16] =	ssyncset.done $0x0  }
0x2d: {  	[sflag:s16] =	ssyncadd.s32 $0xFFFFC000  }
0x2e: {  	[hbm4b:s9+s14] =	stream.strided.scatter [tilespmem:s13], [sflag:$0x3], $0x4000, s15, s14, $0x38;
	[tilespmem:$0x8100] =	vst v63  }
0x2f: {  	_ =	swait.ge [sflag:s5], $0x4000  }
0x30: {  	[sflag:s5] =	ssyncset.done $0x0  }
0x31: {  	[sflag:s5] =	ssyncadd.s32 $0xFFFFC000  }
0x32: {  	[hbm4b:s10+s14] =	stream.strided.scatter [tilespmem:s11], [sflag:$0x3], $0x4000, s15, s14, $0x38;
	[tilespmem:$0x8100] =	vst v63  }
0x33: {  	_ =	swait.ge [sflag:s12], $0x4000  }
0x34: {  	[sflag:s12] =	ssyncset.done $0x0  }
0x35: {  	[sflag:s12] =	ssyncadd.s32 $0xFFFFC000  }
0x36: {  	_ =	swait.ge [sflag:s12], $0x4000  }
0x37: {  	[sflag:s12] =	ssyncset.done $0x0  }
0x38: {  	[sflag:s12] =	ssyncadd.s32 $0xFFFFC000  }
0x39: {  	[tilespmem:s4], [sflag:$0x1] =	stream.linear.gather [hbm4b:s6+s4], $0x80, $0x38;
	[tilespmem:$0x8100] =	vst v63  }
0x3a: {  	_ = 	snop  }
0x3b: {  	[tilespmem:s7], [sflag:$0x1] =	stream.linear.gather [hbm4b:s8+s4], $0x80, $0x38;
	[tilespmem:$0x8100] =	vst v63  }
0x3c: {  	_ =	swait.ge [sflag:s5], $0x80  }
0x3d: {  	[sflag:s5] =	ssyncset.done $0x0  }
0x3e: {  	[sflag:s5] =	ssyncadd.s32 $0xFFFFFF80  }
0x3f: {  	_ =	swait.ge [sflag:s5], $0x80  }
0x40: {  	[sflag:s5] =	ssyncset.done $0x0  }
0x41: {  	[sflag:s5] =	ssyncadd.s32 $0xFFFFFF80  }
0x42: {  	v8 =	vld [tilespmem:$0xF0]  }
0x43: {  	v9 =	vld [tilespmem:$0x90]  }
0x44: {  	v10 =	vld [tilespmem:$0x70]  }
0x45: {  	v11 =	vld [tilespmem:$0x60]  }
0x46: {  	v12 =	vld [tilespmem:$0xD0]  }
0x47: {  	v13 =	vld [tilespmem:$0x50];
	v8 =	vadd.s32 v1, v8  }
0x48: {  	v9 =	vadd.s32 v0, v9;
	v14 =	vld [tilespmem:$0xC0];
	[tilespmem:$0xF0] =	vst v8  }
0x49: {  	[tilespmem:$0x90] =	vst v9;
	v8 =	vld [tilespmem:$0x40];
	v9 =	vadd.s32 v1, v10  }
0x4a: {  	v10 =	vld [tilespmem:$0xB0];
	v11 =	vadd.s32 v2, v11;
	[tilespmem:$0x70] =	vst v9  }
0x4b: {  	v9 =	vld [tilespmem:$0x30];
	v12 =	vadd.s32 v3, v12;
	[tilespmem:$0x60] =	vst v11  }
0x4c: {  	v11 =	vld [tilespmem:$0xA0];
	v13 =	vadd.s32 v3, v13;
	[tilespmem:$0xD0] =	vst v12  }
0x4d: {  	v12 =	vld [tilespmem:$0x20];
	v14 =	vadd.s32 v4, v14;
	[tilespmem:$0x50] =	vst v13  }
0x4e: {  	v8 =	vadd.s32 v4, v8;
	[tilespmem:$0xC0] =	vst v14;
	v13 =	vld [tilespmem:$0xE0]  }
0x4f: {  	v14 =	vld [tilespmem:$0x10];
	v10 =	vadd.s32 v5, v10;
	[tilespmem:$0x40] =	vst v8  }
0x50: {  	v8 =	vld [tilespmem:$0x80];
	v9 =	vadd.s32 v5, v9;
	[tilespmem:$0xB0] =	vst v10  }
0x51: {  	v10 =	vld [tilespmem:$0x0];
	v11 =	vadd.s32 v6, v11;
	[tilespmem:$0x30] =	vst v9  }
0x52: {  	v9 =	vadd.s32 v6, v12;
	[tilespmem:$0xA0] =	vst v11  }
0x53: {  	[tilespmem:$0x20] =	vst v9;
	v9 =	vadd.s32 v2, v13  }
.Ltmp1:
0x54: {  	v11 =	vadd.s32 v0, v14;
	[tilespmem:$0xE0] =	vst v9;
	(pc) =	sbr.rel @p0 .LBB2_1-.Ltmp1, $4  }
0x55: {  	v8 =	vadd.s32 v7, v8;
	[tilespmem:$0x10] =	vst v11  }
0x56: {  	v9 =	vadd.s32 v7, v10;
	[tilespmem:$0x80] =	vst v8  }
0x57: {  	[tilespmem:$0x0] =	vst v9  }
0x58: {  	[tilespmem:s13], [sflag:$0x2] =	stream.indirect.gather [hbm4b:s3+s7], $0x80, s4, s7, $0xb8;
	[tilespmem:$0x8100] =	vst v63  }
.LBB2_2:
0x59: {  	[tilespmem:s11], [sflag:$0x1] =	stream.indirect.gather [hbm4b:s2+s7], $0x80, s7, s7, $0xb8;
	[tilespmem:$0x8100] =	vst v63  }
0x5a: {  	_ =	swait.ge [sflag:s16], $0x4000  }
0x5b: {  	[sflag:s16] =	ssyncset.done $0x0  }
0x5c: {  	[sflag:s16] =	ssyncadd.s32 $0xFFFFC000  }
0x5d: {  	[hbm4b:s9+s14] =	stream.strided.scatter [tilespmem:s13], [sflag:$0x3], $0x4000, s15, s14, $0x38;
	[tilespmem:$0x8100] =	vst v63  }
0x5e: {  	_ =	swait.ge [sflag:s5], $0x4000  }
0x5f: {  	[sflag:s5] =	ssyncset.done $0x0  }
0x60: {  	[sflag:s5] =	ssyncadd.s32 $0xFFFFC000  }
0x61: {  	[hbm4b:s10+s14] =	stream.strided.scatter [tilespmem:s11], [sflag:$0x3], $0x4000, s15, s14, $0x38;
	[tilespmem:$0x8100] =	vst v63  }
0x62: {  	_ =	swait.ge [sflag:s12], $0x4000  }
0x63: {  	[sflag:s12] =	ssyncset.done $0x0  }
0x64: {  	[sflag:s12] =	ssyncadd.s32 $0xFFFFC000  }
0x65: {  	_ =	swait.ge [sflag:s12], $0x4000  }
0x66: {  	[sflag:s12] =	ssyncset.done $0x0  }
0x67: {  	[sflag:s12] =	ssyncadd.s32 $0xFFFFC000  }
0x68: {  	_ =	sfence.sel $0x180000  }
0x69: {  	[bflag:$0x0] =	sbarrier.arrive $0xFFFF  }
0x6a: {  	p0 =	sne.s32 s0, $0x0;
	_ =	strace $0x90000047  }
0x6b: {  	s0 =	sadd.s32 @!p0 $0x100000, s1;
	[bflag:$0x2] =	sbarrier.arrive $0xFFFF  }
0x6c: {  	[sflag:s0] =	ssyncadd.tile.s32 @!p0 $0x1;
	_ =	shalt  }
.Lfunc_end2:
_tile_overlayer_lowered:
.L_overlay_start_2:
0x6d: {  	(tag) =	ssettag $0x2  }
0x6e: {  	s0 =	rddreg [dreg:$0x0];
	s2 =	stileid.u32  }
0x6f: {  	s1 =	rddreg [dreg:$0x1];
	p0 =	sne.s32 s2, $0x0  }
0x70: {  	s3 =	rddreg [dreg:$0x2];
	[bflag:$0x3] =	sbarrier.arrive $0xFFFF;
	s2 =	simm.s32 @!p0 $0x1C04  }
0x71: {  	[timem:s3], [sflag:s2] =	dma.local @!p0 [hbm:s0], s1  }
0x72: {  	s0 =	simm.s32 @!p0 $0x4  }
0x73: {  	_ =	swait.ge @!p0 [sflag:s0], s1  }
0x74: {  	s1 =	ssub.s32 @!p0 $0x0, s1;
	[sflag:s0] =	ssyncset.done @!p0 $0x0  }
0x75: {  	[sflag:s0] =	ssyncadd.s32 @!p0 s1  }
0x76: {  	[bflag:$0x3] =	sbarrier.arrive $0xFFFF  }
0x77: {  	_ =	shalt  }

</sc_bundles>
